<compile_context>
chip_gen: v7x
topology: tpu7x:2x2x1
jax: 0.10.2.dev20260603
libtpu: 0.0.44.dev20260713+nightly
codegen_flags: <defaults>
</compile_context>

<pallas_src>
import jax
import jax.numpy as jnp
from jax.experimental import pallas as pl

B, N, D, H = 2048, 18, 21, 512
G = 128
C1 = float(1.0 / (18.0 ** 0.5))
C2 = float(1.0 / 18.0)


def _agg_relu(h, bias):
    hub = h[(N - 1) * G:, :]
    leaf_sum = h[:G, :]
    for n in range(1, N - 1):
        leaf_sum = leaf_sum + h[n * G:(n + 1) * G, :]
    hub_new = C1 * leaf_sum + C2 * hub
    out = jnp.concatenate([h[:(N - 1) * G, :], hub_new], axis=0)
    return jnp.maximum(out + bias, 0.0)


def _body(fv_ref, mw1_ref, mb1_ref, mw2_ref, mb2_ref, w1_ref, b1_ref,
          w2_ref, b2_ref, lw1_ref, lb1_ref, lw2_ref, lb2_ref, out_ref):
    fv = fv_ref[...].reshape(N * G, D)
    t = fv[:, 16:21]
    a = jnp.maximum(jnp.dot(t, mw1_ref[...]) + mb1_ref[...], 0.0)
    nodes = jnp.maximum(jnp.dot(a, mw2_ref[...]) + mb2_ref[...], 0.0)
    h = (jnp.dot(fv[:, :16], w1_ref[:16, :]) + nodes * w1_ref[16:17, :])
    h = _agg_relu(h, b1_ref[...])
    h = _agg_relu(jnp.dot(h, w2_ref[...]), b2_ref[...])
    h = jnp.maximum(jnp.dot(h, lw1_ref[...]) + lb1_ref[...], 0.0)
    h = jnp.maximum(jnp.dot(h, lw2_ref[...]) + lb2_ref[...], 0.0)
    out_ref[...] = h.reshape(N, G, H)


def kernel(form_vec, mlp_w1, mlp_b1, mlp_w2, mlp_b2, conv1_w, conv1_b,
           conv2_w, conv2_b, lin_w1, lin_b1, lin_w2, lin_b2):
    fvt = form_vec.transpose(1, 0, 2)
    rep2 = lambda a: (a.shape, lambda i: (0, 0))
    w_specs = [
        pl.BlockSpec(*rep2(mlp_w1)),
        pl.BlockSpec((1, 5), lambda i: (0, 0)),
        pl.BlockSpec(*rep2(mlp_w2)),
        pl.BlockSpec((1, 1), lambda i: (0, 0)),
        pl.BlockSpec(*rep2(conv1_w)),
        pl.BlockSpec((1, H), lambda i: (0, 0)),
        pl.BlockSpec(*rep2(conv2_w)),
        pl.BlockSpec((1, H), lambda i: (0, 0)),
        pl.BlockSpec(*rep2(lin_w1)),
        pl.BlockSpec((1, H), lambda i: (0, 0)),
        pl.BlockSpec(*rep2(lin_w2)),
        pl.BlockSpec((1, H), lambda i: (0, 0)),
    ]
    out = pl.pallas_call(
        _body,
        grid=(B // G,),
        in_specs=[pl.BlockSpec((N, G, D), lambda i: (0, i, 0))] + w_specs,
        out_specs=pl.BlockSpec((N, G, H), lambda i: (0, i, 0)),
        out_shape=jax.ShapeDtypeStruct((N, B, H), jnp.float32),
    )(fvt, mlp_w1, mlp_b1.reshape(1, 5), mlp_w2, mlp_b2.reshape(1, 1),
      conv1_w, conv1_b.reshape(1, H), conv2_w, conv2_b.reshape(1, H),
      lin_w1, lin_b1.reshape(1, H), lin_w2, lin_b2.reshape(1, H))
    return out.transpose(1, 0, 2).reshape(B * N, H)

# --- scband reference (transcript-rebuilt; emitter-appended) ---
"""Pipeline reference for scband-gcn-15934328668192 (READ-ONLY COPY).

The authoritative reference and input builder live on the scoring server;
editing this copy changes nothing except your own understanding.
"""

import jax, jax.numpy as jnp
import numpy as np

B, N, D, H = 2048, 18, 21, 512

def setup_inputs(seed: int = 0) -> dict:
    key = jax.random.key(seed)
    ks = jax.random.split(key, 8)
    s = 0.05
    return {
        "form_vec": jax.random.normal(ks[0], (B, N, D), dtype=jnp.float32),
        "mlp_w1": jax.random.normal(ks[1], (5, 5), dtype=jnp.float32) * s,
        "mlp_b1": jnp.zeros((5,), dtype=jnp.float32),
        "mlp_w2": jax.random.normal(ks[2], (5, 1), dtype=jnp.float32) * s,
        "mlp_b2": jnp.zeros((1,), dtype=jnp.float32),
        "conv1_w": jax.random.normal(ks[3], (17, H), dtype=jnp.float32) * s,
        "conv1_b": jnp.zeros((H,), dtype=jnp.float32),
        "conv2_w": jax.random.normal(ks[4], (H, H), dtype=jnp.float32) * s,
        "conv2_b": jnp.zeros((H,), dtype=jnp.float32),
        "lin_w1": jax.random.normal(ks[5], (H, H), dtype=jnp.float32) * s,
        "lin_b1": jnp.zeros((H,), dtype=jnp.float32),
        "lin_w2": jax.random.normal(ks[6], (H, H), dtype=jnp.float32) * s,
        "lin_b2": jnp.zeros((H,), dtype=jnp.float32),
    }

def _gcn_conv(x, W, b, src, dst, num_nodes):
    # PyG GCNConv: add self-loops, symmetric normalization, linear, scatter-add, bias
    si = jnp.arange(num_nodes, dtype=jnp.int32)
    src2 = jnp.concatenate([src, si])
    dst2 = jnp.concatenate([dst, si])
    deg = jnp.zeros((num_nodes,), dtype=x.dtype).at[dst2].add(1.0)
    dinv = jnp.where(deg > 0, deg ** -0.5, 0.0)
    norm = dinv[src2] * dinv[dst2]
    h = x @ W
    msg = h[src2] * norm[:, None]
    out = jnp.zeros((num_nodes, W.shape[1]), dtype=x.dtype).at[dst2].add(msg)
    return out + b

def reference(form_vec, mlp_w1, mlp_b1, mlp_w2, mlp_b2, conv1_w, conv1_b, conv2_w, conv2_b, lin_w1, lin_b1, lin_w2, lin_b2):
    Bv, Nv, Dv = form_vec.shape
    # node scalar from last-5 features via small MLP
    nodes = jax.nn.relu(jax.nn.relu(form_vec[:, :, 16:] @ mlp_w1 + mlp_b1) @ mlp_w2 + mlp_b2)[..., 0]
    x = jnp.concatenate([form_vec[:, :, :16], nodes[..., None]], axis=-1)  # [B, N, 17]
    # hardcoded star edge_index (17 leaves -> node 17), batched with per-graph offsets
    offsets = jnp.arange(Bv, dtype=jnp.int32)[:, None] * Nv
    src = (jnp.arange(17, dtype=jnp.int32)[None, :] + offsets).reshape(-1)
    dst = (jnp.full((17,), 17, dtype=jnp.int32)[None, :] + offsets).reshape(-1)
    xb = x.reshape(Bv * Nv, 17)
    h = jax.nn.relu(_gcn_conv(xb, conv1_w, conv1_b, src, dst, Bv * Nv))
    h = jax.nn.relu(_gcn_conv(h, conv2_w, conv2_b, src, dst, Bv * Nv))
    # lin head; dropout is identity in eval mode
    h = jax.nn.relu(h @ lin_w1 + lin_b1)
    h = jax.nn.relu(h @ lin_w2 + lin_b2)
    return h

if __name__ == "__main__":
    import jax
    _d = setup_inputs()
    print(jax.jit(kernel)(*tuple(_d.values())))

</pallas_src>

<mosaic_0001>
module attributes {stable_mosaic.version = 14 : i64} {
  func.func @_body(%arg0: i32, %arg1: memref<18x128x21xf32, #tpu.memory_space<vmem>>, %arg2: memref<5x5xf32, #tpu.memory_space<vmem>>, %arg3: memref<1x5xf32, #tpu.memory_space<vmem>>, %arg4: memref<5x1xf32, #tpu.memory_space<vmem>>, %arg5: memref<1x1xf32, #tpu.memory_space<vmem>>, %arg6: memref<17x512xf32, #tpu.memory_space<vmem>>, %arg7: memref<1x512xf32, #tpu.memory_space<vmem>>, %arg8: memref<512x512xf32, #tpu.memory_space<vmem>>, %arg9: memref<1x512xf32, #tpu.memory_space<vmem>>, %arg10: memref<512x512xf32, #tpu.memory_space<vmem>>, %arg11: memref<1x512xf32, #tpu.memory_space<vmem>>, %arg12: memref<512x512xf32, #tpu.memory_space<vmem>>, %arg13: memref<1x512xf32, #tpu.memory_space<vmem>>, %arg14: memref<18x128x512xf32, #tpu.memory_space<vmem>>) attributes {dimension_semantics = [#tpu.dimension_semantics<arbitrary>], iteration_bounds = array<i64: 16>, scalar_prefetch = 0 : i64, scratch_operands = 0 : i64, tpu.core_type = #tpu.core_type<tc>, window_params = [{transform_indices = @transform_0, window_bounds = array<i64: 18, 128, 21>}, {pipeline_mode = #tpu.pipeline_mode<synchronous>, transform_indices = @transform_1, window_bounds = array<i64: 5, 5>}, {pipeline_mode = #tpu.pipeline_mode<synchronous>, transform_indices = @transform_2, window_bounds = array<i64: 1, 5>}, {pipeline_mode = #tpu.pipeline_mode<synchronous>, transform_indices = @transform_3, window_bounds = array<i64: 5, 1>}, {pipeline_mode = #tpu.pipeline_mode<synchronous>, transform_indices = @transform_4, window_bounds = array<i64: 1, 1>}, {pipeline_mode = #tpu.pipeline_mode<synchronous>, transform_indices = @transform_5, window_bounds = array<i64: 17, 512>}, {pipeline_mode = #tpu.pipeline_mode<synchronous>, transform_indices = @transform_6, window_bounds = array<i64: 1, 512>}, {pipeline_mode = #tpu.pipeline_mode<synchronous>, transform_indices = @transform_7, window_bounds = array<i64: 512, 512>}, {pipeline_mode = #tpu.pipeline_mode<synchronous>, transform_indices = @transform_8, window_bounds = array<i64: 1, 512>}, {pipeline_mode = #tpu.pipeline_mode<synchronous>, transform_indices = @transform_9, window_bounds = array<i64: 512, 512>}, {pipeline_mode = #tpu.pipeline_mode<synchronous>, transform_indices = @transform_10, window_bounds = array<i64: 1, 512>}, {pipeline_mode = #tpu.pipeline_mode<synchronous>, transform_indices = @transform_11, window_bounds = array<i64: 512, 512>}, {pipeline_mode = #tpu.pipeline_mode<synchronous>, transform_indices = @transform_12, window_bounds = array<i64: 1, 512>}, {transform_indices = @transform_13, window_bounds = array<i64: 18, 128, 512>}]} {
    %get3A = arith.constant 0 : index
    %get3A_0 = arith.constant 0 : index
    %get3A_1 = arith.constant 0 : index
    %get3A_2 = vector.load %arg1[%get3A, %get3A_0, %get3A_1] : memref<18x128x21xf32, #tpu.memory_space<vmem>>, vector<18x128x21xf32>
    %reshape3A = vector.shape_cast %get3A_2 : vector<18x128x21xf32> to vector<2304x21xf32>
    %slice3A = vector.extract_strided_slice %reshape3A {offsets = [0, 16], sizes = [2304, 5], strides = [1, 1]} : vector<2304x21xf32> to vector<2304x5xf32>
    %get3A_3 = arith.constant 0 : index
    %get3A_4 = arith.constant 0 : index
    %get3A_5 = vector.load %arg2[%get3A_3, %get3A_4] : memref<5x5xf32, #tpu.memory_space<vmem>>, vector<5x5xf32>
    %dot_general3A = arith.constant dense<0.000000e+00> : vector<2304x5xf32>
    %dot_general3A_6 = tpu.matmul %slice3A, %get3A_5, %dot_general3A {dimension_numbers = #tpu.dot_dimension_numbers<[1], [0], [0], [1], [0, 0, 1, 1], [], []>, transpose_lhs_hint = false} : vector<2304x5xf32>, vector<5x5xf32>, vector<2304x5xf32> -> vector<2304x5xf32>
    %get3A_7 = arith.constant 0 : index
    %get3A_8 = arith.constant 0 : index
    %get3A_9 = vector.load %arg3[%get3A_7, %get3A_8] : memref<1x5xf32, #tpu.memory_space<vmem>>, vector<1x5xf32>
    %add3A = vector.broadcast %get3A_9 : vector<1x5xf32> to vector<2304x5xf32>
    %add3A_10 = arith.addf %dot_general3A_6, %add3A : vector<2304x5xf32>
    %max3A = arith.constant 0.000000e+00 : f32
    %max3A_11 = vector.broadcast %max3A : f32 to vector<2304x5xf32>
    %max3A_12 = arith.maximumf %add3A_10, %max3A_11 : vector<2304x5xf32>
    %get3A_13 = arith.constant 0 : index
    %get3A_14 = arith.constant 0 : index
    %get3A_15 = vector.load %arg4[%get3A_13, %get3A_14] : memref<5x1xf32, #tpu.memory_space<vmem>>, vector<5x1xf32>
    %dot_general3A_16 = arith.constant dense<0.000000e+00> : vector<2304x1xf32>
    %dot_general3A_17 = tpu.matmul %max3A_12, %get3A_15, %dot_general3A_16 {dimension_numbers = #tpu.dot_dimension_numbers<[1], [0], [0], [1], [0, 0, 1, 1], [], []>, transpose_lhs_hint = false} : vector<2304x5xf32>, vector<5x1xf32>, vector<2304x1xf32> -> vector<2304x1xf32>
    %get3A_18 = arith.constant 0 : index
    %get3A_19 = arith.constant 0 : index
    %get3A_20 = vector.load %arg5[%get3A_18, %get3A_19] : memref<1x1xf32, #tpu.memory_space<vmem>>, vector<1x1xf32>
    %add3A_21 = vector.broadcast %get3A_20 : vector<1x1xf32> to vector<2304x1xf32>
    %add3A_22 = arith.addf %dot_general3A_17, %add3A_21 : vector<2304x1xf32>
    %max3A_23 = arith.constant 0.000000e+00 : f32
    %max3A_24 = vector.broadcast %max3A_23 : f32 to vector<2304x1xf32>
    %max3A_25 = arith.maximumf %add3A_22, %max3A_24 : vector<2304x1xf32>
    %slice3A_26 = vector.extract_strided_slice %reshape3A {offsets = [0, 0], sizes = [2304, 16], strides = [1, 1]} : vector<2304x21xf32> to vector<2304x16xf32>
    %get3A_27 = arith.constant 0 : index
    %get3A_28 = arith.constant 0 : index
    %get3A_29 = vector.load %arg6[%get3A_27, %get3A_28] : memref<17x512xf32, #tpu.memory_space<vmem>>, vector<16x512xf32>
    %dot_general3A_30 = arith.constant dense<0.000000e+00> : vector<2304x512xf32>
    %dot_general3A_31 = tpu.matmul %slice3A_26, %get3A_29, %dot_general3A_30 {dimension_numbers = #tpu.dot_dimension_numbers<[1], [0], [0], [1], [0, 0, 1, 1], [], []>, transpose_lhs_hint = false} : vector<2304x16xf32>, vector<16x512xf32>, vector<2304x512xf32> -> vector<2304x512xf32>
    %get3A_32 = arith.constant 16 : index
    %get3A_33 = arith.constant 0 : index
    %get3A_34 = vector.load %arg6[%get3A_32, %get3A_33] : memref<17x512xf32, #tpu.memory_space<vmem>>, vector<1x512xf32>
    %mul3A = vector.broadcast %max3A_25 : vector<2304x1xf32> to vector<2304x512xf32>
    %mul3A_35 = vector.broadcast %get3A_34 : vector<1x512xf32> to vector<2304x512xf32>
    %mul3A_36 = arith.mulf %mul3A, %mul3A_35 : vector<2304x512xf32>
    %add3A_37 = arith.addf %dot_general3A_31, %mul3A_36 : vector<2304x512xf32>
    %get3A_38 = arith.constant 0 : index
    %get3A_39 = arith.constant 0 : index
    %get3A_40 = vector.load %arg7[%get3A_38, %get3A_39] : memref<1x512xf32, #tpu.memory_space<vmem>>, vector<1x512xf32>
    %slice3A_41 = vector.extract_strided_slice %add3A_37 {offsets = [2176, 0], sizes = [128, 512], strides = [1, 1]} : vector<2304x512xf32> to vector<128x512xf32>
    %slice3A_42 = vector.extract_strided_slice %add3A_37 {offsets = [0, 0], sizes = [128, 512], strides = [1, 1]} : vector<2304x512xf32> to vector<128x512xf32>
    %slice3A_43 = vector.extract_strided_slice %add3A_37 {offsets = [128, 0], sizes = [128, 512], strides = [1, 1]} : vector<2304x512xf32> to vector<128x512xf32>
    %add3A_44 = arith.addf %slice3A_42, %slice3A_43 : vector<128x512xf32>
    %slice3A_45 = vector.extract_strided_slice %add3A_37 {offsets = [256, 0], sizes = [128, 512], strides = [1, 1]} : vector<2304x512xf32> to vector<128x512xf32>
    %add3A_46 = arith.addf %add3A_44, %slice3A_45 : vector<128x512xf32>
    %slice3A_47 = vector.extract_strided_slice %add3A_37 {offsets = [384, 0], sizes = [128, 512], strides = [1, 1]} : vector<2304x512xf32> to vector<128x512xf32>
    %add3A_48 = arith.addf %add3A_46, %slice3A_47 : vector<128x512xf32>
    %slice3A_49 = vector.extract_strided_slice %add3A_37 {offsets = [512, 0], sizes = [128, 512], strides = [1, 1]} : vector<2304x512xf32> to vector<128x512xf32>
    %add3A_50 = arith.addf %add3A_48, %slice3A_49 : vector<128x512xf32>
    %slice3A_51 = vector.extract_strided_slice %add3A_37 {offsets = [640, 0], sizes = [128, 512], strides = [1, 1]} : vector<2304x512xf32> to vector<128x512xf32>
    %add3A_52 = arith.addf %add3A_50, %slice3A_51 : vector<128x512xf32>
    %slice3A_53 = vector.extract_strided_slice %add3A_37 {offsets = [768, 0], sizes = [128, 512], strides = [1, 1]} : vector<2304x512xf32> to vector<128x512xf32>
    %add3A_54 = arith.addf %add3A_52, %slice3A_53 : vector<128x512xf32>
    %slice3A_55 = vector.extract_strided_slice %add3A_37 {offsets = [896, 0], sizes = [128, 512], strides = [1, 1]} : vector<2304x512xf32> to vector<128x512xf32>
    %add3A_56 = arith.addf %add3A_54, %slice3A_55 : vector<128x512xf32>
    %slice3A_57 = vector.extract_strided_slice %add3A_37 {offsets = [1024, 0], sizes = [128, 512], strides = [1, 1]} : vector<2304x512xf32> to vector<128x512xf32>
    %add3A_58 = arith.addf %add3A_56, %slice3A_57 : vector<128x512xf32>
    %slice3A_59 = vector.extract_strided_slice %add3A_37 {offsets = [1152, 0], sizes = [128, 512], strides = [1, 1]} : vector<2304x512xf32> to vector<128x512xf32>
    %add3A_60 = arith.addf %add3A_58, %slice3A_59 : vector<128x512xf32>
    %slice3A_61 = vector.extract_strided_slice %add3A_37 {offsets = [1280, 0], sizes = [128, 512], strides = [1, 1]} : vector<2304x512xf32> to vector<128x512xf32>
    %add3A_62 = arith.addf %add3A_60, %slice3A_61 : vector<128x512xf32>
    %slice3A_63 = vector.extract_strided_slice %add3A_37 {offsets = [1408, 0], sizes = [128, 512], strides = [1, 1]} : vector<2304x512xf32> to vector<128x512xf32>
    %add3A_64 = arith.addf %add3A_62, %slice3A_63 : vector<128x512xf32>
    %slice3A_65 = vector.extract_strided_slice %add3A_37 {offsets = [1536, 0], sizes = [128, 512], strides = [1, 1]} : vector<2304x512xf32> to vector<128x512xf32>
    %add3A_66 = arith.addf %add3A_64, %slice3A_65 : vector<128x512xf32>
    %slice3A_67 = vector.extract_strided_slice %add3A_37 {offsets = [1664, 0], sizes = [128, 512], strides = [1, 1]} : vector<2304x512xf32> to vector<128x512xf32>
    %add3A_68 = arith.addf %add3A_66, %slice3A_67 : vector<128x512xf32>
    %slice3A_69 = vector.extract_strided_slice %add3A_37 {offsets = [1792, 0], sizes = [128, 512], strides = [1, 1]} : vector<2304x512xf32> to vector<128x512xf32>
    %add3A_70 = arith.addf %add3A_68, %slice3A_69 : vector<128x512xf32>
    %slice3A_71 = vector.extract_strided_slice %add3A_37 {offsets = [1920, 0], sizes = [128, 512], strides = [1, 1]} : vector<2304x512xf32> to vector<128x512xf32>
    %add3A_72 = arith.addf %add3A_70, %slice3A_71 : vector<128x512xf32>
    %slice3A_73 = vector.extract_strided_slice %add3A_37 {offsets = [2048, 0], sizes = [128, 512], strides = [1, 1]} : vector<2304x512xf32> to vector<128x512xf32>
    %add3A_74 = arith.addf %add3A_72, %slice3A_73 : vector<128x512xf32>
    %mul3A_75 = arith.constant 0.235702261 : f32
    %mul3A_76 = vector.broadcast %mul3A_75 : f32 to vector<128x512xf32>
    %mul3A_77 = arith.mulf %mul3A_76, %add3A_74 : vector<128x512xf32>
    %mul3A_78 = arith.constant 0.055555556 : f32
    %mul3A_79 = vector.broadcast %mul3A_78 : f32 to vector<128x512xf32>
    %mul3A_80 = arith.mulf %mul3A_79, %slice3A_41 : vector<128x512xf32>
    %add3A_81 = arith.addf %mul3A_77, %mul3A_80 : vector<128x512xf32>
    %slice3A_82 = vector.extract_strided_slice %add3A_37 {offsets = [0, 0], sizes = [2176, 512], strides = [1, 1]} : vector<2304x512xf32> to vector<2176x512xf32>
    %concatenate3A = tpu.concatenate %slice3A_82, %add3A_81 in 0 : vector<2176x512xf32>, vector<128x512xf32> -> vector<2304x512xf32>
    %add3A_83 = vector.broadcast %get3A_40 : vector<1x512xf32> to vector<2304x512xf32>
    %add3A_84 = arith.addf %concatenate3A, %add3A_83 : vector<2304x512xf32>
    %max3A_85 = arith.constant 0.000000e+00 : f32
    %max3A_86 = vector.broadcast %max3A_85 : f32 to vector<2304x512xf32>
    %max3A_87 = arith.maximumf %add3A_84, %max3A_86 : vector<2304x512xf32>
    %get3A_88 = arith.constant 0 : index
    %get3A_89 = arith.constant 0 : index
    %get3A_90 = vector.load %arg8[%get3A_88, %get3A_89] : memref<512x512xf32, #tpu.memory_space<vmem>>, vector<512x512xf32>
    %dot_general3A_91 = arith.constant dense<0.000000e+00> : vector<2304x512xf32>
    %dot_general3A_92 = tpu.matmul %max3A_87, %get3A_90, %dot_general3A_91 {dimension_numbers = #tpu.dot_dimension_numbers<[1], [0], [0], [1], [0, 0, 1, 1], [], []>, transpose_lhs_hint = false} : vector<2304x512xf32>, vector<512x512xf32>, vector<2304x512xf32> -> vector<2304x512xf32>
    %get3A_93 = arith.constant 0 : index
    %get3A_94 = arith.constant 0 : index
    %get3A_95 = vector.load %arg9[%get3A_93, %get3A_94] : memref<1x512xf32, #tpu.memory_space<vmem>>, vector<1x512xf32>
    %slice3A_96 = vector.extract_strided_slice %dot_general3A_92 {offsets = [2176, 0], sizes = [128, 512], strides = [1, 1]} : vector<2304x512xf32> to vector<128x512xf32>
    %slice3A_97 = vector.extract_strided_slice %dot_general3A_92 {offsets = [0, 0], sizes = [128, 512], strides = [1, 1]} : vector<2304x512xf32> to vector<128x512xf32>
    %slice3A_98 = vector.extract_strided_slice %dot_general3A_92 {offsets = [128, 0], sizes = [128, 512], strides = [1, 1]} : vector<2304x512xf32> to vector<128x512xf32>
    %add3A_99 = arith.addf %slice3A_97, %slice3A_98 : vector<128x512xf32>
    %slice3A_100 = vector.extract_strided_slice %dot_general3A_92 {offsets = [256, 0], sizes = [128, 512], strides = [1, 1]} : vector<2304x512xf32> to vector<128x512xf32>
    %add3A_101 = arith.addf %add3A_99, %slice3A_100 : vector<128x512xf32>
    %slice3A_102 = vector.extract_strided_slice %dot_general3A_92 {offsets = [384, 0], sizes = [128, 512], strides = [1, 1]} : vector<2304x512xf32> to vector<128x512xf32>
    %add3A_103 = arith.addf %add3A_101, %slice3A_102 : vector<128x512xf32>
    %slice3A_104 = vector.extract_strided_slice %dot_general3A_92 {offsets = [512, 0], sizes = [128, 512], strides = [1, 1]} : vector<2304x512xf32> to vector<128x512xf32>
    %add3A_105 = arith.addf %add3A_103, %slice3A_104 : vector<128x512xf32>
    %slice3A_106 = vector.extract_strided_slice %dot_general3A_92 {offsets = [640, 0], sizes = [128, 512], strides = [1, 1]} : vector<2304x512xf32> to vector<128x512xf32>
    %add3A_107 = arith.addf %add3A_105, %slice3A_106 : vector<128x512xf32>
    %slice3A_108 = vector.extract_strided_slice %dot_general3A_92 {offsets = [768, 0], sizes = [128, 512], strides = [1, 1]} : vector<2304x512xf32> to vector<128x512xf32>
    %add3A_109 = arith.addf %add3A_107, %slice3A_108 : vector<128x512xf32>
    %slice3A_110 = vector.extract_strided_slice %dot_general3A_92 {offsets = [896, 0], sizes = [128, 512], strides = [1, 1]} : vector<2304x512xf32> to vector<128x512xf32>
    %add3A_111 = arith.addf %add3A_109, %slice3A_110 : vector<128x512xf32>
    %slice3A_112 = vector.extract_strided_slice %dot_general3A_92 {offsets = [1024, 0], sizes = [128, 512], strides = [1, 1]} : vector<2304x512xf32> to vector<128x512xf32>
    %add3A_113 = arith.addf %add3A_111, %slice3A_112 : vector<128x512xf32>
    %slice3A_114 = vector.extract_strided_slice %dot_general3A_92 {offsets = [1152, 0], sizes = [128, 512], strides = [1, 1]} : vector<2304x512xf32> to vector<128x512xf32>
    %add3A_115 = arith.addf %add3A_113, %slice3A_114 : vector<128x512xf32>
    %slice3A_116 = vector.extract_strided_slice %dot_general3A_92 {offsets = [1280, 0], sizes = [128, 512], strides = [1, 1]} : vector<2304x512xf32> to vector<128x512xf32>
    %add3A_117 = arith.addf %add3A_115, %slice3A_116 : vector<128x512xf32>
    %slice3A_118 = vector.extract_strided_slice %dot_general3A_92 {offsets = [1408, 0], sizes = [128, 512], strides = [1, 1]} : vector<2304x512xf32> to vector<128x512xf32>
    %add3A_119 = arith.addf %add3A_117, %slice3A_118 : vector<128x512xf32>
    %slice3A_120 = vector.extract_strided_slice %dot_general3A_92 {offsets = [1536, 0], sizes = [128, 512], strides = [1, 1]} : vector<2304x512xf32> to vector<128x512xf32>
    %add3A_121 = arith.addf %add3A_119, %slice3A_120 : vector<128x512xf32>
    %slice3A_122 = vector.extract_strided_slice %dot_general3A_92 {offsets = [1664, 0], sizes = [128, 512], strides = [1, 1]} : vector<2304x512xf32> to vector<128x512xf32>
    %add3A_123 = arith.addf %add3A_121, %slice3A_122 : vector<128x512xf32>
    %slice3A_124 = vector.extract_strided_slice %dot_general3A_92 {offsets = [1792, 0], sizes = [128, 512], strides = [1, 1]} : vector<2304x512xf32> to vector<128x512xf32>
    %add3A_125 = arith.addf %add3A_123, %slice3A_124 : vector<128x512xf32>
    %slice3A_126 = vector.extract_strided_slice %dot_general3A_92 {offsets = [1920, 0], sizes = [128, 512], strides = [1, 1]} : vector<2304x512xf32> to vector<128x512xf32>
    %add3A_127 = arith.addf %add3A_125, %slice3A_126 : vector<128x512xf32>
    %slice3A_128 = vector.extract_strided_slice %dot_general3A_92 {offsets = [2048, 0], sizes = [128, 512], strides = [1, 1]} : vector<2304x512xf32> to vector<128x512xf32>
    %add3A_129 = arith.addf %add3A_127, %slice3A_128 : vector<128x512xf32>
    %mul3A_130 = arith.constant 0.235702261 : f32
    %mul3A_131 = vector.broadcast %mul3A_130 : f32 to vector<128x512xf32>
    %mul3A_132 = arith.mulf %mul3A_131, %add3A_129 : vector<128x512xf32>
    %mul3A_133 = arith.constant 0.055555556 : f32
    %mul3A_134 = vector.broadcast %mul3A_133 : f32 to vector<128x512xf32>
    %mul3A_135 = arith.mulf %mul3A_134, %slice3A_96 : vector<128x512xf32>
    %add3A_136 = arith.addf %mul3A_132, %mul3A_135 : vector<128x512xf32>
    %slice3A_137 = vector.extract_strided_slice %dot_general3A_92 {offsets = [0, 0], sizes = [2176, 512], strides = [1, 1]} : vector<2304x512xf32> to vector<2176x512xf32>
    %concatenate3A_138 = tpu.concatenate %slice3A_137, %add3A_136 in 0 : vector<2176x512xf32>, vector<128x512xf32> -> vector<2304x512xf32>
    %add3A_139 = vector.broadcast %get3A_95 : vector<1x512xf32> to vector<2304x512xf32>
    %add3A_140 = arith.addf %concatenate3A_138, %add3A_139 : vector<2304x512xf32>
    %max3A_141 = arith.constant 0.000000e+00 : f32
    %max3A_142 = vector.broadcast %max3A_141 : f32 to vector<2304x512xf32>
    %max3A_143 = arith.maximumf %add3A_140, %max3A_142 : vector<2304x512xf32>
    %get3A_144 = arith.constant 0 : index
    %get3A_145 = arith.constant 0 : index
    %get3A_146 = vector.load %arg10[%get3A_144, %get3A_145] : memref<512x512xf32, #tpu.memory_space<vmem>>, vector<512x512xf32>
    %dot_general3A_147 = arith.constant dense<0.000000e+00> : vector<2304x512xf32>
    %dot_general3A_148 = tpu.matmul %max3A_143, %get3A_146, %dot_general3A_147 {dimension_numbers = #tpu.dot_dimension_numbers<[1], [0], [0], [1], [0, 0, 1, 1], [], []>, transpose_lhs_hint = false} : vector<2304x512xf32>, vector<512x512xf32>, vector<2304x512xf32> -> vector<2304x512xf32>
    %get3A_149 = arith.constant 0 : index
    %get3A_150 = arith.constant 0 : index
    %get3A_151 = vector.load %arg11[%get3A_149, %get3A_150] : memref<1x512xf32, #tpu.memory_space<vmem>>, vector<1x512xf32>
    %add3A_152 = vector.broadcast %get3A_151 : vector<1x512xf32> to vector<2304x512xf32>
    %add3A_153 = arith.addf %dot_general3A_148, %add3A_152 : vector<2304x512xf32>
    %max3A_154 = arith.constant 0.000000e+00 : f32
    %max3A_155 = vector.broadcast %max3A_154 : f32 to vector<2304x512xf32>
    %max3A_156 = arith.maximumf %add3A_153, %max3A_155 : vector<2304x512xf32>
    %get3A_157 = arith.constant 0 : index
    %get3A_158 = arith.constant 0 : index
    %get3A_159 = vector.load %arg12[%get3A_157, %get3A_158] : memref<512x512xf32, #tpu.memory_space<vmem>>, vector<512x512xf32>
    %dot_general3A_160 = arith.constant dense<0.000000e+00> : vector<2304x512xf32>
    %dot_general3A_161 = tpu.matmul %max3A_156, %get3A_159, %dot_general3A_160 {dimension_numbers = #tpu.dot_dimension_numbers<[1], [0], [0], [1], [0, 0, 1, 1], [], []>, transpose_lhs_hint = false} : vector<2304x512xf32>, vector<512x512xf32>, vector<2304x512xf32> -> vector<2304x512xf32>
    %get3A_162 = arith.constant 0 : index
    %get3A_163 = arith.constant 0 : index
    %get3A_164 = vector.load %arg13[%get3A_162, %get3A_163] : memref<1x512xf32, #tpu.memory_space<vmem>>, vector<1x512xf32>
    %add3A_165 = vector.broadcast %get3A_164 : vector<1x512xf32> to vector<2304x512xf32>
    %add3A_166 = arith.addf %dot_general3A_161, %add3A_165 : vector<2304x512xf32>
    %max3A_167 = arith.constant 0.000000e+00 : f32
    %max3A_168 = vector.broadcast %max3A_167 : f32 to vector<2304x512xf32>
    %max3A_169 = arith.maximumf %add3A_166, %max3A_168 : vector<2304x512xf32>
    %reshape3A_170 = vector.shape_cast %max3A_169 : vector<2304x512xf32> to vector<18x128x512xf32>
    %swap3A = arith.constant 0 : index
    %swap3A_171 = arith.constant 0 : index
    %swap3A_172 = arith.constant 0 : index
    %swap3A_173 = vector.load %arg14[%swap3A, %swap3A_171, %swap3A_172] : memref<18x128x512xf32, #tpu.memory_space<vmem>>, vector<18x128x512xf32>
    tpu.vector_store %arg14[%swap3A, %swap3A_171, %swap3A_172], %reshape3A_170 {strides = array<i32>} : memref<18x128x512xf32, #tpu.memory_space<vmem>>, vector<18x128x512xf32>,
    return
  }
  func.func @transform_0(%arg0: i32) -> (i32, i32, i32) {
    %c0_i32 = arith.constant 0 : i32
    %c0_i32_0 = arith.constant 0 : i32
    %c0_i32_1 = arith.constant 0 : i32
    return %c0_i32, %arg0, %c0_i32_0 : i32, i32, i32
  }
  func.func @transform_1(%arg0: i32) -> (i32, i32) {
    %c0_i32 = arith.constant 0 : i32
    %c0_i32_0 = arith.constant 0 : i32
    %c0_i32_1 = arith.constant 0 : i32
    return %c0_i32, %c0_i32_0 : i32, i32
  }
  func.func @transform_2(%arg0: i32) -> (i32, i32) {
    %c0_i32 = arith.constant 0 : i32
    %c0_i32_0 = arith.constant 0 : i32
    %c0_i32_1 = arith.constant 0 : i32
    return %c0_i32, %c0_i32_0 : i32, i32
  }
  func.func @transform_3(%arg0: i32) -> (i32, i32) {
    %c0_i32 = arith.constant 0 : i32
    %c0_i32_0 = arith.constant 0 : i32
    %c0_i32_1 = arith.constant 0 : i32
    return %c0_i32, %c0_i32_0 : i32, i32
  }
  func.func @transform_4(%arg0: i32) -> (i32, i32) {
    %c0_i32 = arith.constant 0 : i32
    %c0_i32_0 = arith.constant 0 : i32
    %c0_i32_1 = arith.constant 0 : i32
    return %c0_i32, %c0_i32_0 : i32, i32
  }
  func.func @transform_5(%arg0: i32) -> (i32, i32) {
    %c0_i32 = arith.constant 0 : i32
    %c0_i32_0 = arith.constant 0 : i32
    %c0_i32_1 = arith.constant 0 : i32
    return %c0_i32, %c0_i32_0 : i32, i32
  }
  func.func @transform_6(%arg0: i32) -> (i32, i32) {
    %c0_i32 = arith.constant 0 : i32
    %c0_i32_0 = arith.constant 0 : i32
    %c0_i32_1 = arith.constant 0 : i32
    return %c0_i32, %c0_i32_0 : i32, i32
  }
  func.func @transform_7(%arg0: i32) -> (i32, i32) {
    %c0_i32 = arith.constant 0 : i32
    %c0_i32_0 = arith.constant 0 : i32
    %c0_i32_1 = arith.constant 0 : i32
    return %c0_i32, %c0_i32_0 : i32, i32
  }
  func.func @transform_8(%arg0: i32) -> (i32, i32) {
    %c0_i32 = arith.constant 0 : i32
    %c0_i32_0 = arith.constant 0 : i32
    %c0_i32_1 = arith.constant 0 : i32
    return %c0_i32, %c0_i32_0 : i32, i32
  }
  func.func @transform_9(%arg0: i32) -> (i32, i32) {
    %c0_i32 = arith.constant 0 : i32
    %c0_i32_0 = arith.constant 0 : i32
    %c0_i32_1 = arith.constant 0 : i32
    return %c0_i32, %c0_i32_0 : i32, i32
  }
  func.func @transform_10(%arg0: i32) -> (i32, i32) {
    %c0_i32 = arith.constant 0 : i32
    %c0_i32_0 = arith.constant 0 : i32
    %c0_i32_1 = arith.constant 0 : i32
    return %c0_i32, %c0_i32_0 : i32, i32
  }
  func.func @transform_11(%arg0: i32) -> (i32, i32) {
    %c0_i32 = arith.constant 0 : i32
    %c0_i32_0 = arith.constant 0 : i32
    %c0_i32_1 = arith.constant 0 : i32
    return %c0_i32, %c0_i32_0 : i32, i32
  }
  func.func @transform_12(%arg0: i32) -> (i32, i32) {
    %c0_i32 = arith.constant 0 : i32
    %c0_i32_0 = arith.constant 0 : i32
    %c0_i32_1 = arith.constant 0 : i32
    return %c0_i32, %c0_i32_0 : i32, i32
  }
  func.func @transform_13(%arg0: i32) -> (i32, i32, i32) {
    %c0_i32 = arith.constant 0 : i32
    %c0_i32_0 = arith.constant 0 : i32
    %c0_i32_1 = arith.constant 0 : i32
    return %c0_i32, %arg0, %c0_i32_0 : i32, i32, i32
  }
}

</mosaic_0001>

<sc_bundles>
// kernel: sparse-core-data-format-call.cloned.1.call-start
scs
called_computation_lowered:
.L_overlay_start_0:
0x0: {  	s2 =	sld [smem:$0x3FD9]  }
0x1: {  	s3 =	sld [smem:$0x3FFE];
	_ =	sdelay $0x1  }
0x2: {  	s1 =	srdreg.scid  }
0x3: {  	s0 =	sand.u32 $0x1, s1  }
0x4: {  	s18 =	sshll.u32 s0, $0xA;
	s2 =	sadd.s32 s3, s2  }
0x5: {  	s2 =	sadd.s32 s2, s18  }
0x6: {  	[smem:$0x3FBB] =	sst s2  }
0x7: {  	_ = 	snop  }
0x8: {  	s2 =	sld [smem:$0x3FD0];
	(tm) =	ssettm $0x1  }
0x9: {  	s19 =	sld [smem:$0x3FFB];
	_ =	sdelay $0x3  }
0xa: {  	_ =	strace s19  }
0xb: {  	s3 =	sld [smem:$0x3FFC];
	_ =	sdelay $0x3  }
0xc: {  	_ =	strace s3  }
0xd: {  	s3 =	sld [smem:$0x3FFD];
	_ =	sdelay $0x3  }
0xe: {  	_ =	strace s3  }
0xf: {  	_ =	strace $0x8FFFFFFF  }
0x10: {  	s20 =	sld [smem:$0x3FDB];
	_ =	sdelay $0x1  }
0x11: {  	s4 =	simm.s32 $_scs_section_size  }
0x12: {  	s5 =	simm.s32 $_size__tile_overlayer_lowered;
	s6 =	simm.s32 $_tile_overlayer_lowered  }
0x13: {  	s23 =	simm.s32 $0x1BFF;
	s22 =	sshll.u32 s6, $0x1;
	s3 =	sadd.s32 s4, s20  }
0x14: {  	s7 =	simm.s32 $0x0;
	s21 =	sshll.u32 s5, $0x1;
	s5 =	sadd.s32 s22, s3  }
0x15: {  	[timem:s7], [sflag:s23] =	dma.local [hbm:s5], s21  }
0x16: {  	_ =	swait.ge [sflag:s23], s21  }
0x17: {  	s4 =	ssub.s32 $0x0, s21;
	[sflag:s23] =	ssyncset.done $0x0  }
0x18: {  	[sflag:s23] =	ssyncadd.s32 s4;
	_ =	sdelay $0x1  }
0x19: {  	s24 =	simm.s32 $0x1B8B  }
0x1a: {  	_ =	swait.ge [sflag:s24], $0x1  }
0x1b: {  	[sflag:s24] =	ssyncset.done $0x0  }
0x1c: {  	s26 =	simm.s32 $0x1B8E;
	s25 =	sld [smem:$0x3FFE];
	[sflag:s24] =	ssyncadd.s32 $0xFFFFFFFF  }
0x1d: {  	s27 =	simm.s32 $execute0_lowered;
	[smem:$0x3FD2] =	sst s26  }
0x1e: {  	s5 =	sshll.u32 s27, $0x1;
	_ =	strace $0x80000046;
	[dreg:$0x1] =	wrdreg $0xFFFFFFFF  }
0x1f: {  	s28 =	simm.s32 $_size_execute0_lowered;
	s3 =	sadd.s32 s3, s5;
	[dreg:$0x0] =	wrdreg $0x0  }
0x20: {  	s5 =	sshll.u32 s28, $0x1;
	[dreg:$0x2] =	wrdreg s3  }
0x21: {  	[dreg:$0x3] =	wrdreg s5  }
0x22: {  	[dreg:$0x4] =	wrdreg $0xC0  }
0x23: {  	_ =	task [dreg:s7], $0x5FFFF  }
0x24: {  	[dreg:$0x1] =	wrdreg $0xFFFFFFFF  }
0x25: {  	[dreg:$0x0] =	wrdreg $0x60  }
0x26: {  	[dreg:$0x2] =	wrdreg s2  }
0x27: {  	[dreg:$0x3] =	wrdreg s25  }
0x28: {  	[dreg:$0x4] =	wrdreg $0x9  }
0x29: {  	_ =	task.clear_ibuf [dreg:s7], $0x5FFFF;
	_ =	strace $0x90000046  }
0x2a: {  	s29 =	simm.s32 $0x9;
	_ =	strace $0x80000048  }
0x2b: {  	_ =	swait.ge [sflag:s29], $0x1  }
0x2c: {  	[sflag:s29] =	ssyncadd.s32 $0xFFFFFFFF  }
0x2d: {  	_ =	strace $0x90000048  }
0x2e: {  	_ =	sfence  }
0x2f: {  	s30 =	sld [smem:$0x0];
	_ =	sdelay $0x2  }
0x30: {  	s31 =	sshll.u32 s1, $0xD;
	s1 =	sshrl.u32 s1, $0x2  }
0x31: {  	s3 =	sand.u32 $0x4000, s31;
	s1 =	sadd.s32 s1, s30  }
0x32: {  	s0 =	sor.u32 s3, s0;
	s1 =	sshll.u32 s1, $0x11  }
0x33: {  	s0 =	sor.u32 s1, s0  }
0x34: {  	s0 =	sadd.s32 $0x8F2B, s0  }
0x35: {  	[sflag:s0] =	ssyncadd.remote.s32 $0x1  }
0x36: {  	_ =	sfence.sel $0xFFFF  }
0x37: {  	[dreg:$0x0] =	wrdreg $0xFFFFFFFF;
	(pc) =	sbr.abs _section_cstart, $3  }
0x38: {  	[dreg:$0x1] =	wrdreg $0xFFFFFFFF  }
0x39: {  	_ =	task.clear_ibuf [dreg:s7], $0x2FFFF;
	_ =	strace $0x9FFFFFFF  }
0x3a: {  	(tm) =	ssettm $0x7FFFFFFF  }
0x3b: {  	_ =	shalt  }
tec
execute0_lowered:
.L_overlay_start_1:
0x0: {  	(tag) =	ssettag $0x1  }
0x1: {  	s0 =	stileid.u32  }
0x2: {  	s2 =	srdreg.scid;
	s31 =	rddreg [dreg:$0x1]  }
0x3: {  	s8 =	simm.s32 $0x2;
	s1 =	sshll.u32 s0, $0x7;
	s2 =	sshll.u32 s2, $0x7  }
0x4: {  	s15 =	simm.s32 $0x0;
	s2 =	sand.u32 $0x80, s2;
	s3 =	ssub.s32 $0x800, s1  }
0x5: {  	s5 =	sshrl.u32 s3, $0xB;
	s3 =	sand.u32 $0x780, s3;
	s4 =	ssub.s32 $0x200, s2  }
0x6: {  	p0 =	sne.s32 s3, $0x0;
	s3 =	simm.s32 $0x1;
	s6 =	sshrl.u32 s4, $0x7  }
0x7: {  	s7 =	sshrl.u32 s4, $0x8;
	s3 =	simm.s32 @!p0 $0x0;
	s6 =	sand.u32 $0x1, s6  }
0x8: {  	s9 =	simm.s32 $0x3000;
	s3 =	sadd.s32 s3, s5;
	s30 =	sadd.s32 s7, s6  }
0x9: {  	s10 =	simm.s32 $0x0;
	s16 =	simm.s32 $0x0;
	s6 =	smul.u32 s30, s3  }
.Ltmp0:
0xa: {  	s17 =	simm.s32 $0x0;
	s13 =	simm.s32 $0x0;
	(pc) =	sbr.rel .LBB1_1-.Ltmp0, $4  }
0xb: {  	s14 =	simm.s32 $0x0;
	s4 =	rddreg [dreg:$0x0];
	s5 =	simm.s32 $0x1  }
0xc: {  	s3 =	rddreg [dreg:$0x2];
	_ =	strace $0x80000047;
	s6 =	smul.u32 $0x12, s6  }
0xd: {  	s12 =	smov.u32 s1;
	s11 =	smov.u32 s2;
	[sflag:s5] =	ssyncpa.u1 $0x0  }
0xe: {  	s7 =	sadd.s32 $0x1800, s31;
	[sflag:s8] =	ssyncpa.u1 $0x0;
	s8 =	sor.u32 $0x1, s6  }
.LBB1_4:
0xf: {  	_ =	sdelay $0x3  }
0x10: {  	[tilespmem:v0+s20+$0xFFFFFFA0 ss:$0x1] =	vst.idx.msk $0xffff, v7  }
0x11: {  	v56 =	vld.idx.msk [tilespmem:v1+s19+$0x30 ss:$0x1], $0xffff;
	[tilespmem:v0+s20+$0xFFFFFFB0 ss:$0x1] =	vst.idx.msk $0xffff, v6  }
0x12: {  	s21 =	sshll.u32 s17, $0x9;
	s22 =	sshll.u32 s15, $0x3;
	v57 =	vld.idx.msk [tilespmem:v1+s19+$0xFFFFFFC0 ss:$0x1], $0xffff;
	[tilespmem:v0+s20+$0xFFFFFFC0 ss:$0x1] =	vst.idx.msk $0xffff, v4  }
0x13: {  	s27 =	sshll.u32 s17, $0x7;
	v58 =	vld.idx.msk [tilespmem:v1+s19+$0xFFFFFFD0 ss:$0x1], $0xffff;
	[tilespmem:v0+s20+$0xFFFFFFD0 ss:$0x1] =	vst.idx.msk $0xffff, v3;
	s21 =	sand.u32 $0xFFFFF000, s21;
	s22 =	sand.u32 $0xFFFFFC00, s22  }
0x14: {  	v59 =	vld.idx.msk [tilespmem:v1+s19+$0xFFFFFFE0 ss:$0x1], $0xffff;
	[tilespmem:v0+s20+$0xFFFFFFE0 ss:$0x1] =	vst.idx.msk $0xffff, v2;
	s28 =	sand.u32 $0x200, s27;
	s21 =	sadd.s32 s21, s22  }
0x15: {  	v60 =	vld.idx.msk [tilespmem:v1+s19+$0xFFFFFFF0 ss:$0x1], $0xffff;
	[tilespmem:v0+s20+$0xFFFFFFF0 ss:$0x1] =	vst.idx.msk $0xffff, v5;
	s21 =	sor.u32 s28, s21  }
0x16: {  	v61 =	vld.idx.msk [tilespmem:v1+s19+$0x0 ss:$0x1], $0xffff;
	s29 =	sshrl.u32 s21, $0x9;
	[tilespmem:v0+s19+$0x0 ss:$0x1] =	vst.idx.msk $0xffff, v56  }
0x17: {  	v62 =	vld.idx.msk [tilespmem:v1+s19+$0x10 ss:$0x1], $0xffff;
	s21 =	smulhi.u32 $0xAAAAAAB, s29;
	[tilespmem:v0+s19+$0xFFFFFF90 ss:$0x1] =	vst.idx.msk $0xffff, v57  }
0x18: {  	v63 =	vld.idx.msk [tilespmem:v1+s19+$0x20 ss:$0x1], $0xffff;
	s16 =	smul.u32 $0x600, s16;
	[tilespmem:v0+s19+$0xFFFFFFA0 ss:$0x1] =	vst.idx.msk $0xffff, v58  }
0x19: {  	s30 =	sand.u32 $0x78, s15;
	s17 =	sand.u32 $0x180, s27;
	[tilespmem:v0+s19+$0xFFFFFFB0 ss:$0x1] =	vst.idx.msk $0xffff, v59;
	s21 =	smul.u32 $0x18, s21  }
0x1a: {  	s31 =	sand.u32 $0x7, s15;
	s17 =	sor.u32 s17, s30;
	[tilespmem:v0+s19+$0xFFFFFFC0 ss:$0x1] =	vst.idx.msk $0xffff, v60  }
0x1b: {  	s16 =	sadd.s32 s7, s16;
	s17 =	sshrl.u32 s17, $0x3;
	[tilespmem:v0+s19+$0xFFFFFFD0 ss:$0x1] =	vst.idx.msk $0xffff, v61;
	s20 =	ssub.s32 s29, s21  }
0x1c: {  	s15 =	sshll.u32 s31, $0x12;
	s16 =	sadd.s32 s17, s16;
	[tilespmem:v0+s19+$0xFFFFFFE0 ss:$0x1] =	vst.idx.msk $0xffff, v62;
	s20 =	sshll.u32 s20, $0x6  }
0x1d: {  	s15 =	sor.u32 $0x80, s15;
	[tilespmem:v0+s19+$0xFFFFFFF0 ss:$0x1] =	vst.idx.msk $0xffff, v63;
	s16 =	sadd.s32 s20, s16  }
0x1e: {  	[hbm4b:s16+s15] =	stream.strided.scatter [tilespmem:s18], [sflag:$0x2], $0x4000, s9, s15, $0x38;
	[tilespmem:$0x10000] =	vst v63  }
.LBB1_5:
0x1f: {  	s18 =	sadd.s32 $0x100, s11  }
0x20: {  	s15 =	sadd.s32 $0x800, s12;
	s19 =	smov.u32 s12;
	p1 =	sgt.s32 s18, $0x1FF  }
0x21: {  	s19 =	smov.u32 @p1 s15  }
0x22: {  	s15 =	simm.s32 $0x1;
	p2 =	sgt.s32 s19, $0x7FF  }
0x23: {  	s15 =	simm.s32 @!p2 $0x0  }
0x24: {  	s21 =	sadd.s32 s15, s13  }
0x25: {  	s18 =	smov.u32 @p1 s2;
	p1 =	sgt.s32 s21, $0x11  }
0x26: {  	p0 =	slt.u32 s14, $0x2;
	s21 =	simm.s32 @p1 $0x0;
	p1 =	sne.s32 s14, s8  }
.Ltmp1:
0x27: {  	s20 =	simm.s32 @!p0 $0x2;
	(pc) =	sbr.rel @!p1 .LBB1_6-.Ltmp1, $4  }
0x28: {  	s16 =	smov.u32 s12;
	s17 =	smov.u32 s13;
	_ =	swait.ge @!p0 [sflag:s20], $0x4000  }
0x29: {  	s10 =	sadd.s32 $0x4000, s10;
	[sflag:s20] =	ssyncset.done @!p0 $0x0;
	s19 =	smov.u32 @p2 s1  }
0x2a: {  	[sflag:s20] =	ssyncadd.s32 @!p0 $0xFFFFC000;
	s15 =	smov.u32 s11;
	s11 =	smov.u32 s18  }
0x2b: {  	s12 =	smov.u32 s19;
	s14 =	sadd.s32 $0x1, s14;
	s13 =	smov.u32 s21  }
.LBB1_1:
0x2c: {  	p0 =	sge.u32 s14, s6  }
0x2d: {  	s31 =	sadd.s32 $0xFFFFFFFF, s14;
	s18 =	sxor.u32 @!p0 $0xFFFFFFFF, s14  }
0x2e: {  	s19 =	sshll.u32 @!p0 s12, $0x9;
	s20 =	sshll.u32 @!p0 s11, $0x3;
	s21 =	sshll.u32 @!p0 s12, $0x7  }
0x2f: {  	s22 =	sand.u32 @!p0 $0x78, s11;
	s19 =	sand.u32 @!p0 $0xFF000, s19;
	s20 =	sand.u32 @!p0 $0xFFC00, s20  }
0x30: {  	s18 =	sshll.u32 @!p0 s18, $0xE;
	s19 =	sadd.s32 @!p0 s19, s20;
	s20 =	sand.u32 @!p0 $0x200, s21  }
0x31: {  	s18 =	sand.u32 @!p0 $0x4000, s18;
	s19 =	sor.u32 @!p0 s20, s19;
	s20 =	sand.u32 @!p0 $0x180, s21  }
0x32: {  	s21 =	sshll.u32 @!p0 s13, $0x11;
	s20 =	sor.u32 @!p0 s22, s20;
	s19 =	sshrl.u32 @!p0 s19, $0x3  }
0x33: {  	s21 =	sadd.s32 @!p0 s4, s21;
	s22 =	sand.u32 @!p0 $0x7, s11;
	s20 =	sshrl.u32 @!p0 s20, $0x3  }
0x34: {  	s19 =	sand.u32 @!p0 $0x1FFC0, s19;
	s20 =	sadd.s32 @!p0 s20, s21;
	s21 =	sshll.u32 @!p0 s22, $0x12  }
0x35: {  	s19 =	sadd.s32 @!p0 s19, s20;
	s20 =	sor.u32 @!p0 $0x400, s21;
	s21 =	simm.s32 @!p0 $0x1000  }
0x36: {  	[tilespmem:s18], [sflag:$0x1] =	stream.strided.gather @!p0 [hbm4b:s19+s20], $0x4000, s21, s20, $0x38;
	[tilespmem:$0x10000] =	vst v63  }
0x37: {  	p0 =	sge.u32 s31, s6  }
.Ltmp2:
0x38: {  	_ = 	snop;
	(pc) =	sbr.rel @p0 .LBB1_5-.Ltmp2, $1  }
0x39: {  	_ =	sdelay $0x3  }
0x3a: {  	s18 =	sand.u32 $0x4000, s10  }
0x3b: {  	s19 =	sor.u32 $0x40, s18  }
0x3c: {  	v1 =	vmov s19;
	_ =	sdelay $0x1  }
0x3d: {  	_ =	swait.ge [sflag:s5], $0x4000  }
0x3e: {  	[sflag:s5] =	ssyncset.done $0x0  }
0x3f: {  	s20 =	simm.s32 $0x0;
	[sflag:s5] =	ssyncadd.s32 $0xFFFFC000  }
0x40: {  	s18 =	sor.u32 $0x8070, s18;
	v5 =	vld.idx.msk [tilespmem:v1+s20+$0x30 ss:$0x1], $0xffff  }
0x41: {  	v0 =	vmov s18;
	v8 =	vld.idx.msk [tilespmem:v1+s20+$0xFFFFFFC0 ss:$0x1], $0xffff  }
0x42: {  	v7 =	vld.idx.msk [tilespmem:v1+s20+$0xFFFFFFD0 ss:$0x1], $0xffff  }
0x43: {  	v6 =	vld.idx.msk [tilespmem:v1+s20+$0xFFFFFFE0 ss:$0x1], $0xffff  }
0x44: {  	v4 =	vld.idx.msk [tilespmem:v1+s20+$0xFFFFFFF0 ss:$0x1], $0xffff  }
0x45: {  	s31 =	sshll.u32 s14, $0xE;
	v3 =	vld.idx.msk [tilespmem:v1+s20+$0x0 ss:$0x1], $0xffff  }
0x46: {  	s18 =	sand.u32 $0x4000, s31;
	v2 =	vld.idx.msk [tilespmem:v1+s20+$0x10 ss:$0x1], $0xffff;
	[tilespmem:v0+s20+$0x0 ss:$0x1] =	vst.idx.msk $0xffff, v5  }
0x47: {  	s21 =	simm.s32 $0x400;
	s19 =	simm.s32 $0x80;
	s18 =	sor.u32 $0x8000, s18;
	[tilespmem:v0+s20+$0xFFFFFF90 ss:$0x1] =	vst.idx.msk $0xffff, v8;
	v5 =	vld.idx.msk [tilespmem:v1+s20+$0x20 ss:$0x1], $0xffff  }
.LBB1_3:
0x48: {  	p0 =	sne.s32 s21, $0xFE00;
	v8 =	vld.idx.msk [tilespmem:v1+s19+$0x30 ss:$0x1], $0xffff;
	[tilespmem:v0+s20+$0xFFFFFFA0 ss:$0x1] =	vst.idx.msk $0xffff, v7  }
0x49: {  	v9 =	vld.idx.msk [tilespmem:v1+s19+$0xFFFFFFC0 ss:$0x1], $0xffff;
	[tilespmem:v0+s20+$0xFFFFFFB0 ss:$0x1] =	vst.idx.msk $0xffff, v6  }
0x4a: {  	v7 =	vld.idx.msk [tilespmem:v1+s19+$0xFFFFFFD0 ss:$0x1], $0xffff;
	[tilespmem:v0+s20+$0xFFFFFFC0 ss:$0x1] =	vst.idx.msk $0xffff, v4  }
.Ltmp3:
0x4b: {  	v6 =	vld.idx.msk [tilespmem:v1+s19+$0xFFFFFFE0 ss:$0x1], $0xffff;
	[tilespmem:v0+s20+$0xFFFFFFD0 ss:$0x1] =	vst.idx.msk $0xffff, v3;
	(pc) =	sbr.rel @p0 .LBB1_3-.Ltmp3, $4  }
0x4c: {  	v4 =	vld.idx.msk [tilespmem:v1+s19+$0xFFFFFFF0 ss:$0x1], $0xffff;
	[tilespmem:v0+s20+$0xFFFFFFE0 ss:$0x1] =	vst.idx.msk $0xffff, v2  }
0x4d: {  	v3 =	vld.idx.msk [tilespmem:v1+s19+$0x0 ss:$0x1], $0xffff;
	[tilespmem:v0+s20+$0xFFFFFFF0 ss:$0x1] =	vst.idx.msk $0xffff, v5;
	s20 =	smov.u32 s19  }
0x4e: {  	v2 =	vld.idx.msk [tilespmem:v1+s20+$0x10 ss:$0x1], $0xffff;
	[tilespmem:v0+s20+$0x0 ss:$0x1] =	vst.idx.msk $0xffff, v8  }
0x4f: {  	s19 =	sshra.s32 s21, $0x2;
	s21 =	sadd.s32 $0x200, s21;
	[tilespmem:v0+s20+$0xFFFFFF90 ss:$0x1] =	vst.idx.msk $0xffff, v9;
	v5 =	vld.idx.msk [tilespmem:v1+s20+$0x20 ss:$0x1], $0xffff  }
.Ltmp4:
0x50: {  	_ = 	snop;
	(pc) =	sbr.rel .LBB1_4-.Ltmp4, $1  }
0x51: {  	_ =	sdelay $0x3  }
.LBB1_6:
0x52: {  	_ =	sfence.sel $0x180000  }
0x53: {  	s1 =	simm.s32 $0x1;
	[bflag:$0x0] =	sbarrier.arrive $0xFFFF  }
0x54: {  	s31 =	simm.s32 $0x2;
	[sflag:s1] =	ssyncpa.u1 $0x1  }
0x55: {  	[sflag:s31] =	ssyncpa.u1 $0x1  }
0x56: {  	p0 =	sne.s32 s0, $0x0;
	_ =	strace $0x90000047  }
0x57: {  	s0 =	sadd.s32 @!p0 $0x100000, s3;
	[bflag:$0x2] =	sbarrier.arrive $0xFFFF  }
0x58: {  	[sflag:s0] =	ssyncadd.tile.s32 @!p0 $0x1;
	_ =	shalt  }
.Lfunc_end1:
_tile_overlayer_lowered:
.L_overlay_start_2:
0x59: {  	(tag) =	ssettag $0x2  }
0x5a: {  	s0 =	rddreg [dreg:$0x0];
	s2 =	stileid.u32  }
0x5b: {  	s1 =	rddreg [dreg:$0x1];
	p0 =	sne.s32 s2, $0x0  }
0x5c: {  	s3 =	rddreg [dreg:$0x2];
	[bflag:$0x3] =	sbarrier.arrive $0xFFFF;
	s2 =	simm.s32 @!p0 $0x1C01  }
0x5d: {  	[timem:s3], [sflag:s2] =	dma.local @!p0 [hbm:s0], s1  }
0x5e: {  	s0 =	simm.s32 @!p0 $0x1  }
0x5f: {  	_ =	swait.ge @!p0 [sflag:s0], s1  }
0x60: {  	s1 =	ssub.s32 @!p0 $0x0, s1;
	[sflag:s0] =	ssyncset.done @!p0 $0x0  }
0x61: {  	[sflag:s0] =	ssyncadd.s32 @!p0 s1  }
0x62: {  	[bflag:$0x3] =	sbarrier.arrive $0xFFFF  }
0x63: {  	_ =	shalt  }

</sc_bundles>
